<compile_context>
chip_gen: v7x
topology: tpu7x:2x2x1
jax: 0.10.2.dev20260603
libtpu: 0.0.44.dev20260713+nightly
codegen_flags: <defaults>
</compile_context>

<pallas_src>
import functools

import numpy as np
import jax
import jax.numpy as jnp
from jax import lax
from jax.experimental import pallas as pl
from jax.experimental.pallas import tpu as pltpu
from jax.experimental.pallas import tpu_sc as plsc

_N_SEG = 64


def kernel(inp):
    b, n_t, d = inp.shape
    rows = b * _N_SEG

    info = plsc.get_sparse_core_info()
    num_workers = info.num_cores * info.num_subcores
    rpw = rows // num_workers
    hpw = rpw // 2
    wpb = _N_SEG // rpw

    table = inp.reshape(b * n_t, d)
    mesh = plsc.VectorSubcoreMesh(core_axis_name="c", subcore_axis_name="s")

    @functools.partial(
        pl.kernel,
        mesh=mesh,
        out_type=jax.ShapeDtypeStruct((b, _N_SEG, d), jnp.float32),
        scratch_types=[
            pltpu.VMEM((hpw,), jnp.int32),
            pltpu.VMEM((hpw,), jnp.int32),
            pltpu.VMEM((hpw, d), jnp.float32),
            pltpu.VMEM((hpw, d), jnp.float32),
            pltpu.SemaphoreType.DMA,
            pltpu.SemaphoreType.DMA,
            pltpu.SemaphoreType.DMA,
            pltpu.SemaphoreType.DMA,
        ],
    )
    def gather_rows(
        table_hbm, idx_hbm, out_hbm,
        idx_v0, idx_v1, rows_v0, rows_v1, s0, s1, s2, s3,
    ):
        wid = lax.axis_index("s") * info.num_cores + lax.axis_index("c")
        out_b = wid // wpb
        out_k = (wid % wpb) * rpw
        i0 = pltpu.async_copy(idx_hbm.at[wid, 0], idx_v0, s0)
        i1 = pltpu.async_copy(idx_hbm.at[wid, 1], idx_v1, s1)
        i0.wait()
        g0 = pltpu.async_copy(table_hbm.at[idx_v0], rows_v0, s2)
        i1.wait()
        g1 = pltpu.async_copy(table_hbm.at[idx_v1], rows_v1, s3)
        g0.wait()
        o0 = pltpu.async_copy(rows_v0, out_hbm.at[out_b, pl.ds(out_k, hpw)], s0)
        g1.wait()
        o1 = pltpu.async_copy(rows_v1, out_hbm.at[out_b, pl.ds(out_k + hpw, hpw)], s1)
        o0.wait()
        o1.wait()

    t_vec = np.linspace(1, n_t, _N_SEG + 1)
    starts = [int(round(x)) - 1 for x in t_vec[:-1]]
    flat_idx = np.asarray(
        [bi * n_t + t for bi in range(b) for t in starts], dtype=np.int32
    ).reshape(num_workers, 2, hpw)
    return gather_rows(table, jnp.asarray(flat_idx))

# --- scband reference (transcript-rebuilt; emitter-appended) ---
"""Pipeline reference for scband-sp-1614907703724 (READ-ONLY COPY).

The authoritative reference and input builder live on the scoring server;
editing this copy changes nothing except your own understanding.
"""

import jax, jax.numpy as jnp
import numpy as np

N_SEGMENTS = 64

def setup_inputs(seed: int = 0) -> dict:
    key = jax.random.key(seed)
    inp = jax.random.normal(key, (4, 4096, 2048), dtype=jnp.float32)
    return {"inp": inp}

def reference(inp) -> jnp.ndarray:
    nT = inp.shape[1]
    t_vec = np.linspace(1, nT, N_SEGMENTS + 1)
    t_vec = [int(round(x)) - 1 for x in t_vec]
    idx = jnp.asarray(t_vec[:-1], dtype=jnp.int32)
    return jnp.take(inp, idx, axis=1)

if __name__ == "__main__":
    import jax
    _d = setup_inputs()
    print(jax.jit(kernel)(*tuple(_d.values())))

</pallas_src>

<mosaic_0001>
#map = affine_map<(d0, d1) -> (0, 0)>
#map1 = affine_map<(d0, d1) -> (0, 0, 0)>
module attributes {stable_mosaic.version = 14 : i64} {
  func.func @gather_rows(%arg0: i32, %arg1: i32, %arg2: memref<16384x2048xf32, #tpu.memory_space<hbm>>, %arg3: memref<32x2x4xi32, #tpu.memory_space<hbm>>, %arg4: memref<4x64x2048xf32, #tpu.memory_space<hbm>>, %arg5: memref<4xi32, #tpu.memory_space<vmem>>, %arg6: memref<4xi32, #tpu.memory_space<vmem>>, %arg7: memref<4x2048xf32, #tpu.memory_space<vmem>>, %arg8: memref<4x2048xf32, #tpu.memory_space<vmem>>, %arg9: memref<!tpu.dma_semaphore, #tpu.memory_space<semaphore_mem>>, %arg10: memref<!tpu.dma_semaphore, #tpu.memory_space<semaphore_mem>>, %arg11: memref<!tpu.dma_semaphore, #tpu.memory_space<semaphore_mem>>, %arg12: memref<!tpu.dma_semaphore, #tpu.memory_space<semaphore_mem>>) attributes {dimension_semantics = [#tpu.dimension_semantics<core_parallel>, #tpu.dimension_semantics<subcore_parallel>], iteration_bounds = array<i64: 2, 16>, scalar_prefetch = 0 : i64, scratch_operands = 8 : i64, tpu.core_type = #tpu.core_type<sc_vector_subcore>, window_params = [{transform_indices = #map}, {transform_indices = #map1}, {transform_indices = #map1}]} {
    %mul3A = arith.constant 2 : i32
    %mul3A_0 = arith.muli %arg1, %mul3A : i32
    %add3A = arith.addi %mul3A_0, %arg0 : i32
    %jit3A = arith.constant 8 : i32
    %div3A = arith.divsi %add3A, %jit3A : i32
    %sign3A = arith.constant 0 : i32
    %sign3A_1 = arith.cmpi sgt, %add3A, %sign3A : i32
    %sign3A_2 = arith.extui %sign3A_1 : i1 to i32
    %sign3A_3 = arith.constant 0 : i32
    %sign3A_4 = arith.cmpi slt, %add3A, %sign3A_3 : i32
    %sign3A_5 = arith.extui %sign3A_4 : i1 to i32
    %sign3A_6 = arith.subi %sign3A_2, %sign3A_5 : i32
    %sign3A_7 = arith.constant 0 : i32
    %sign3A_8 = arith.cmpi sgt, %jit3A, %sign3A_7 : i32
    %sign3A_9 = arith.extui %sign3A_8 : i1 to i32
    %sign3A_10 = arith.constant 0 : i32
    %sign3A_11 = arith.cmpi slt, %jit3A, %sign3A_10 : i32
    %sign3A_12 = arith.extui %sign3A_11 : i1 to i32
    %sign3A_13 = arith.subi %sign3A_9, %sign3A_12 : i32
    %ne3A = arith.cmpi ne, %sign3A_6, %sign3A_13 : i32
    %rem3A = arith.remsi %add3A, %jit3A : i32
    %ne3A_14 = arith.constant 0 : i32
    %ne3A_15 = arith.cmpi ne, %rem3A, %ne3A_14 : i32
    %and3A = arith.andi %ne3A, %ne3A_15 : i1
    %sub3A = arith.constant 1 : i32
    %sub3A_16 = arith.subi %div3A, %sub3A : i32
    %select_n3A = arith.select %and3A, %sub3A_16, %div3A : i32
    %jit3A_17 = arith.constant 8 : i32
    %eq3A = arith.constant 0 : i32
    %eq3A_18 = arith.cmpi eq, %jit3A_17, %eq3A : i32
    %jit3A_19 = arith.constant 1 : i32
    %select_n3A_20 = arith.select %eq3A_18, %jit3A_19, %jit3A_17 : i32
    %rem3A_21 = arith.remsi %add3A, %select_n3A_20 : i32
    %ne3A_22 = arith.constant 0 : i32
    %ne3A_23 = arith.cmpi ne, %rem3A_21, %ne3A_22 : i32
    %lt3A = arith.constant 0 : i32
    %lt3A_24 = arith.cmpi slt, %rem3A_21, %lt3A : i32
    %lt3A_25 = arith.constant 0 : i32
    %lt3A_26 = arith.cmpi slt, %select_n3A_20, %lt3A_25 : i32
    %ne3A_27 = arith.xori %lt3A_24, %lt3A_26 : i1
    %and3A_28 = arith.andi %ne3A_27, %ne3A_23 : i1
    %add3A_29 = arith.addi %rem3A_21, %select_n3A_20 : i32
    %select_n3A_30 = arith.select %and3A_28, %add3A_29, %rem3A_21 : i32
    %mul3A_31 = arith.constant 8 : i32
    %mul3A_32 = arith.muli %select_n3A_30, %mul3A_31 : i32
    %dma_start3A = arith.constant 0 : i32
    %dma_start3A_33 = arith.constant 0 : i32
    %dma_start3A_34 = tpu.memref_slice %arg3[%add3A, %dma_start3A, %dma_start3A_33] : memref<32x2x4xi32, #tpu.memory_space<hbm>> -> memref<1x1x4xi32, #tpu.memory_space<hbm>>
    %dma_start3A_35 = tpu.memref_squeeze %dma_start3A_34 : memref<1x1x4xi32, #tpu.memory_space<hbm>> -> memref<4xi32, #tpu.memory_space<hbm>>
    %dma_start3A_36 = arith.constant 0 : i32
    %dma_start3A_37 = tpu.memref_slice %arg3[%add3A, %dma_start3A, %dma_start3A_36] : memref<32x2x4xi32, #tpu.memory_space<hbm>> -> memref<1x1x4xi32, #tpu.memory_space<hbm>>
    %dma_start3A_38 = tpu.memref_squeeze %dma_start3A_37 : memref<1x1x4xi32, #tpu.memory_space<hbm>> -> memref<4xi32, #tpu.memory_space<hbm>>
    tpu.enqueue_dma source(%dma_start3A_38 : memref<4xi32, #tpu.memory_space<hbm>>) target(%arg5 : memref<4xi32, #tpu.memory_space<vmem>>) target_semaphore(%arg9 : memref<!tpu.dma_semaphore, #tpu.memory_space<semaphore_mem>>)
    %dma_start3A_39 = arith.constant 1 : i32
    %dma_start3A_40 = arith.constant 0 : i32
    %dma_start3A_41 = tpu.memref_slice %arg3[%add3A, %dma_start3A_39, %dma_start3A_40] : memref<32x2x4xi32, #tpu.memory_space<hbm>> -> memref<1x1x4xi32, #tpu.memory_space<hbm>>
    %dma_start3A_42 = tpu.memref_squeeze %dma_start3A_41 : memref<1x1x4xi32, #tpu.memory_space<hbm>> -> memref<4xi32, #tpu.memory_space<hbm>>
    %dma_start3A_43 = arith.constant 0 : i32
    %dma_start3A_44 = tpu.memref_slice %arg3[%add3A, %dma_start3A_39, %dma_start3A_43] : memref<32x2x4xi32, #tpu.memory_space<hbm>> -> memref<1x1x4xi32, #tpu.memory_space<hbm>>
    %dma_start3A_45 = tpu.memref_squeeze %dma_start3A_44 : memref<1x1x4xi32, #tpu.memory_space<hbm>> -> memref<4xi32, #tpu.memory_space<hbm>>
    tpu.enqueue_dma source(%dma_start3A_45 : memref<4xi32, #tpu.memory_space<hbm>>) target(%arg6 : memref<4xi32, #tpu.memory_space<vmem>>) target_semaphore(%arg10 : memref<!tpu.dma_semaphore, #tpu.memory_space<semaphore_mem>>)
    %dma_wait3A = arith.constant 0 : i32
    %dma_wait3A_46 = arith.constant 0 : i32
    %dma_wait3A_47 = tpu.memref_slice %arg3[%add3A, %dma_wait3A, %dma_wait3A_46] : memref<32x2x4xi32, #tpu.memory_space<hbm>> -> memref<1x1x4xi32, #tpu.memory_space<hbm>>
    %dma_wait3A_48 = tpu.memref_squeeze %dma_wait3A_47 : memref<1x1x4xi32, #tpu.memory_space<hbm>> -> memref<4xi32, #tpu.memory_space<hbm>>
    %dma_wait3A_49 = arith.constant 0 : i32
    %dma_wait3A_50 = tpu.memref_slice %arg3[%add3A, %dma_wait3A, %dma_wait3A_49] : memref<32x2x4xi32, #tpu.memory_space<hbm>> -> memref<1x1x4xi32, #tpu.memory_space<hbm>>
    %dma_wait3A_51 = tpu.memref_squeeze %dma_wait3A_50 : memref<1x1x4xi32, #tpu.memory_space<hbm>> -> memref<4xi32, #tpu.memory_space<hbm>>
    tpu.wait_dma2 semaphore(%arg9 : memref<!tpu.dma_semaphore, #tpu.memory_space<semaphore_mem>>) src(%dma_wait3A_51 : memref<4xi32, #tpu.memory_space<hbm>>) dst(%arg5 : memref<4xi32, #tpu.memory_space<vmem>>)
    %dma_start3A_52 = arith.constant 0 : i32
    %dma_start3A_53 = arith.constant 0 : i32
    %dma_start3A_54 = tpu.memref_slice %arg2[%dma_start3A_52, %dma_start3A_53] : memref<16384x2048xf32, #tpu.memory_space<hbm>> -> memref<16384x2048xf32, #tpu.memory_space<hbm>>
    tpu.enqueue_indirect_dma source(%dma_start3A_54 : memref<16384x2048xf32, #tpu.memory_space<hbm>>) target(%arg7 : memref<4x2048xf32, #tpu.memory_space<vmem>>) offsets(%arg5 : memref<4xi32, #tpu.memory_space<vmem>>) semaphore(%arg11 : memref<!tpu.dma_semaphore, #tpu.memory_space<semaphore_mem>>)
    %dma_wait3A_55 = arith.constant 1 : i32
    %dma_wait3A_56 = arith.constant 0 : i32
    %dma_wait3A_57 = tpu.memref_slice %arg3[%add3A, %dma_wait3A_55, %dma_wait3A_56] : memref<32x2x4xi32, #tpu.memory_space<hbm>> -> memref<1x1x4xi32, #tpu.memory_space<hbm>>
    %dma_wait3A_58 = tpu.memref_squeeze %dma_wait3A_57 : memref<1x1x4xi32, #tpu.memory_space<hbm>> -> memref<4xi32, #tpu.memory_space<hbm>>
    %dma_wait3A_59 = arith.constant 0 : i32
    %dma_wait3A_60 = tpu.memref_slice %arg3[%add3A, %dma_wait3A_55, %dma_wait3A_59] : memref<32x2x4xi32, #tpu.memory_space<hbm>> -> memref<1x1x4xi32, #tpu.memory_space<hbm>>
    %dma_wait3A_61 = tpu.memref_squeeze %dma_wait3A_60 : memref<1x1x4xi32, #tpu.memory_space<hbm>> -> memref<4xi32, #tpu.memory_space<hbm>>
    tpu.wait_dma2 semaphore(%arg10 : memref<!tpu.dma_semaphore, #tpu.memory_space<semaphore_mem>>) src(%dma_wait3A_61 : memref<4xi32, #tpu.memory_space<hbm>>) dst(%arg6 : memref<4xi32, #tpu.memory_space<vmem>>)
    %dma_start3A_62 = arith.constant 0 : i32
    %dma_start3A_63 = arith.constant 0 : i32
    %dma_start3A_64 = tpu.memref_slice %arg2[%dma_start3A_62, %dma_start3A_63] : memref<16384x2048xf32, #tpu.memory_space<hbm>> -> memref<16384x2048xf32, #tpu.memory_space<hbm>>
    tpu.enqueue_indirect_dma source(%dma_start3A_64 : memref<16384x2048xf32, #tpu.memory_space<hbm>>) target(%arg8 : memref<4x2048xf32, #tpu.memory_space<vmem>>) offsets(%arg6 : memref<4xi32, #tpu.memory_space<vmem>>) semaphore(%arg12 : memref<!tpu.dma_semaphore, #tpu.memory_space<semaphore_mem>>)
    %dma_wait3A_65 = arith.constant 0 : i32
    %dma_wait3A_66 = arith.constant 0 : i32
    %dma_wait3A_67 = tpu.memref_slice %arg2[%dma_wait3A_65, %dma_wait3A_66] : memref<16384x2048xf32, #tpu.memory_space<hbm>> -> memref<16384x2048xf32, #tpu.memory_space<hbm>>
    tpu.wait_indirect_dma semaphore(%arg11 : memref<!tpu.dma_semaphore, #tpu.memory_space<semaphore_mem>>) src(%dma_wait3A_67 : memref<16384x2048xf32, #tpu.memory_space<hbm>>) dst(%arg7 : memref<4x2048xf32, #tpu.memory_space<vmem>>)
    %dma_start3A_68 = arith.constant 0 : i32
    %dma_start3A_69 = tpu.memref_slice %arg4[%select_n3A, %mul3A_32, %dma_start3A_68] : memref<4x64x2048xf32, #tpu.memory_space<hbm>> -> memref<1x4x2048xf32, #tpu.memory_space<hbm>>
    %dma_start3A_70 = tpu.memref_squeeze %dma_start3A_69 : memref<1x4x2048xf32, #tpu.memory_space<hbm>> -> memref<4x2048xf32, #tpu.memory_space<hbm>>
    %dma_start3A_71 = arith.constant 0 : i32
    %dma_start3A_72 = tpu.memref_slice %arg4[%select_n3A, %mul3A_32, %dma_start3A_71] : memref<4x64x2048xf32, #tpu.memory_space<hbm>> -> memref<1x4x2048xf32, #tpu.memory_space<hbm>>
    %dma_start3A_73 = tpu.memref_squeeze %dma_start3A_72 : memref<1x4x2048xf32, #tpu.memory_space<hbm>> -> memref<4x2048xf32, #tpu.memory_space<hbm>>
    tpu.enqueue_dma source(%arg7 : memref<4x2048xf32, #tpu.memory_space<vmem>>) target(%dma_start3A_73 : memref<4x2048xf32, #tpu.memory_space<hbm>>) target_semaphore(%arg9 : memref<!tpu.dma_semaphore, #tpu.memory_space<semaphore_mem>>)
    %dma_wait3A_74 = arith.constant 0 : i32
    %dma_wait3A_75 = arith.constant 0 : i32
    %dma_wait3A_76 = tpu.memref_slice %arg2[%dma_wait3A_74, %dma_wait3A_75] : memref<16384x2048xf32, #tpu.memory_space<hbm>> -> memref<16384x2048xf32, #tpu.memory_space<hbm>>
    tpu.wait_indirect_dma semaphore(%arg12 : memref<!tpu.dma_semaphore, #tpu.memory_space<semaphore_mem>>) src(%dma_wait3A_76 : memref<16384x2048xf32, #tpu.memory_space<hbm>>) dst(%arg8 : memref<4x2048xf32, #tpu.memory_space<vmem>>)
    %add3A_77 = arith.constant 4 : i32
    %add3A_78 = arith.addi %mul3A_32, %add3A_77 : i32
    %dma_start3A_79 = arith.constant 0 : i32
    %dma_start3A_80 = tpu.memref_slice %arg4[%select_n3A, %add3A_78, %dma_start3A_79] : memref<4x64x2048xf32, #tpu.memory_space<hbm>> -> memref<1x4x2048xf32, #tpu.memory_space<hbm>>
    %dma_start3A_81 = tpu.memref_squeeze %dma_start3A_80 : memref<1x4x2048xf32, #tpu.memory_space<hbm>> -> memref<4x2048xf32, #tpu.memory_space<hbm>>
    %dma_start3A_82 = arith.constant 0 : i32
    %dma_start3A_83 = tpu.memref_slice %arg4[%select_n3A, %add3A_78, %dma_start3A_82] : memref<4x64x2048xf32, #tpu.memory_space<hbm>> -> memref<1x4x2048xf32, #tpu.memory_space<hbm>>
    %dma_start3A_84 = tpu.memref_squeeze %dma_start3A_83 : memref<1x4x2048xf32, #tpu.memory_space<hbm>> -> memref<4x2048xf32, #tpu.memory_space<hbm>>
    tpu.enqueue_dma source(%arg8 : memref<4x2048xf32, #tpu.memory_space<vmem>>) target(%dma_start3A_84 : memref<4x2048xf32, #tpu.memory_space<hbm>>) target_semaphore(%arg10 : memref<!tpu.dma_semaphore, #tpu.memory_space<semaphore_mem>>)
    %dma_wait3A_85 = arith.constant 0 : i32
    %dma_wait3A_86 = tpu.memref_slice %arg4[%select_n3A, %mul3A_32, %dma_wait3A_85] : memref<4x64x2048xf32, #tpu.memory_space<hbm>> -> memref<1x4x2048xf32, #tpu.memory_space<hbm>>
    %dma_wait3A_87 = tpu.memref_squeeze %dma_wait3A_86 : memref<1x4x2048xf32, #tpu.memory_space<hbm>> -> memref<4x2048xf32, #tpu.memory_space<hbm>>
    %dma_wait3A_88 = arith.constant 0 : i32
    %dma_wait3A_89 = tpu.memref_slice %arg4[%select_n3A, %mul3A_32, %dma_wait3A_88] : memref<4x64x2048xf32, #tpu.memory_space<hbm>> -> memref<1x4x2048xf32, #tpu.memory_space<hbm>>
    %dma_wait3A_90 = tpu.memref_squeeze %dma_wait3A_89 : memref<1x4x2048xf32, #tpu.memory_space<hbm>> -> memref<4x2048xf32, #tpu.memory_space<hbm>>
    tpu.wait_dma2 semaphore(%arg9 : memref<!tpu.dma_semaphore, #tpu.memory_space<semaphore_mem>>) src(%arg7 : memref<4x2048xf32, #tpu.memory_space<vmem>>) dst(%dma_wait3A_90 : memref<4x2048xf32, #tpu.memory_space<hbm>>)
    %dma_wait3A_91 = arith.constant 0 : i32
    %dma_wait3A_92 = tpu.memref_slice %arg4[%select_n3A, %add3A_78, %dma_wait3A_91] : memref<4x64x2048xf32, #tpu.memory_space<hbm>> -> memref<1x4x2048xf32, #tpu.memory_space<hbm>>
    %dma_wait3A_93 = tpu.memref_squeeze %dma_wait3A_92 : memref<1x4x2048xf32, #tpu.memory_space<hbm>> -> memref<4x2048xf32, #tpu.memory_space<hbm>>
    %dma_wait3A_94 = arith.constant 0 : i32
    %dma_wait3A_95 = tpu.memref_slice %arg4[%select_n3A, %add3A_78, %dma_wait3A_94] : memref<4x64x2048xf32, #tpu.memory_space<hbm>> -> memref<1x4x2048xf32, #tpu.memory_space<hbm>>
    %dma_wait3A_96 = tpu.memref_squeeze %dma_wait3A_95 : memref<1x4x2048xf32, #tpu.memory_space<hbm>> -> memref<4x2048xf32, #tpu.memory_space<hbm>>
    tpu.wait_dma2 semaphore(%arg10 : memref<!tpu.dma_semaphore, #tpu.memory_space<semaphore_mem>>) src(%arg8 : memref<4x2048xf32, #tpu.memory_space<vmem>>) dst(%dma_wait3A_96 : memref<4x2048xf32, #tpu.memory_space<hbm>>)
    return
  }
}

</mosaic_0001>

<sc_bundles>
// kernel: kernel.3.cloned.1.call-start
scs
__scs_entry_jumppad:
0x0: {  	(pc) =	sbr.rel $0x88, $3  }
0x1: {  	(tag) =	ssettag $0x0;
	lr =	simm.s32 $0x1  }
0x2: {  	[smem:$0x3FA0] =	sst lr;
	_ =	strace $0xD0000000  }
0x3: {  	_ = 	snop  }
0x4: {  	_ = 	snop  }
0x5: {  	_ = 	snop  }
0x6: {  	_ = 	snop  }
0x7: {  	_ = 	snop  }
__scs_overlays_trampoline_lowered:
0x8: {  	[smem:$0x3FAF] =	sst s0  }
0x9: {  	[smem:$0x3FB0] =	sst s1  }
0xa: {  	[smem:$0x3FB1] =	sst s2  }
0xb: {  	[smem:$0x3FB2] =	sst s3  }
0xc: {  	[smem:$0x3FB3] =	sst s4  }
0xd: {  	[smem:$0x3FB4] =	sst s5  }
0xe: {  	[smem:$0x3FB5] =	sst s6  }
0xf: {  	[smem:$0x3FB6] =	sst s7  }
0x10: {  	[smem:$0x3FB7] =	sst s8  }
0x11: {  	[smem:$0x3FB8] =	sst s9;
	s0 =	simm.s32 @!p0 $0x0  }
0x12: {  	s1 =	sld [smem:$0x3F9E];
	s0 =	simm.s32 @p0 $0x1  }
0x13: {  	[smem:$0x3FB9] =	sst s0;
	s0 =	simm.s32 @!p1 $0x0  }
0x14: {  	s2 =	sld [smem:$0x3F9D];
	s0 =	simm.s32 @p1 $0x1  }
0x15: {  	[smem:$0x3FBA] =	sst s0;
	s0 =	simm.s32 @!p2 $0x0  }
0x16: {  	s3 =	sld [smem:$0x3FDB];
	s0 =	simm.s32 @p2 $0x1  }
0x17: {  	s4 =	simm.s32 $0x1BF5;
	[smem:$0x3FBC] =	sst s0  }
0x18: {  	s0 =	sld [smem:$0x3F9F];
	_ =	swait.ge [sflag:s4], $0x0  }
0x19: {  	s7 =	sld [smem:$0x3FA0]  }
0x1a: {  	s8 =	sadd.s32 $0xFFFFE003, lr  }
0x1b: {  	s9 =	sadd.s32 $0xFFFFFEF7, lr;
	s5 =	simm.s32 $0xFFFFFFFF;
	p2 =	slt.u32 s8, $0xFFFFF086  }
0x1c: {  	p1 =	slt.u32 s9, $0xF7A;
	s5 =	simm.s32 @!p2 $0x0  }
0x1d: {  	s5 =	simm.s32 @p1 $0x1;
	p0 =	seq.s32 s7, s2  }
0x1e: {  	s7 =	smul.u32 @!p0 $0xF7A, s2;
	p2 =	seq.s32 @!p0 s5, $0x0  }
0x1f: {  	s9 =	smul.u32 $0xF7A, s1;
	s8 =	simm.s32 @!p0 $0x1BF5;
	p2 =	por !p2, p0  }
0x20: {  	[sflag:s8] =	ssyncset.s32 @!p0 $0xFFFFF086;
	s6 =	sadd.s32 @!p0 s3, s7;
	s7 =	simm.s32 @!p0 $0x108  }
0x21: {  	s3 =	sadd.s32 s3, s9;
	s6 =	sadd.s32 @!p0 $0x88, s6;
	s7 =	simm.s32 @p2 $0x1082  }
0x22: {  	[simem:s7], [sflag:s8] =	dma.local @!p0 [hbm:s6], $0xF7A  }
0x23: {  	s9 =	sor.u32 $0xD0000000, s2;
	s6 =	simm.s32 $0x108;
	_ =	swait.ge @!p0 [sflag:s8], $0x0  }
0x24: {  	s3 =	sadd.s32 $0x88, s3;
	s6 =	simm.s32 @!p1 $0x1082;
	[sflag:s4] =	ssyncset.s32 $0xFFFFF086  }
0x25: {  	[simem:s6], [sflag:s4] =	dma.local [hbm:s3], $0xF7A  }
0x26: {  	[smem:$0x3FA0] =	sst s1;
	(tag) =	ssettag s2;
	_ =	strace s9  }
0x27: {  	s1 =	sld [smem:$0x3FB0]  }
0x28: {  	s2 =	sld [smem:$0x3FB1]  }
0x29: {  	s4 =	sld [smem:$0x3FB3]  }
0x2a: {  	p0 =	seq.s32 s5, $0x0;
	s5 =	sld [smem:$0x3FB4]  }
0x2b: {  	s6 =	sld [smem:$0x3FB5]  }
0x2c: {  	s7 =	sld [smem:$0x3FB6]  }
0x2d: {  	s3 =	simm.s32 $0x108;
	s8 =	sld [smem:$0x3FB7]  }
0x2e: {  	s3 =	simm.s32 @!p0 $0x1082;
	s9 =	sld [smem:$0x3FB8]  }
0x2f: {  	lr =	sadd.s32 s0, s3;
	s0 =	sld [smem:$0x3FAF]  }
0x30: {  	s3 =	sld [smem:$0x3FB2]  }
0x31: {  	[smem:$0x3FBB] =	sst s10  }
0x32: {  	s10 =	sld [smem:$0x3FB9];
	_ =	sdelay $0x3  }
0x33: {  	p0 =	seq.s32 s10, $0x1;
	s10 =	sld [smem:$0x3FBB];
	_ =	sdelay $0x3  }
0x34: {  	[smem:$0x3FBB] =	sst s10  }
0x35: {  	s10 =	sld [smem:$0x3FBA];
	_ =	sdelay $0x3  }
0x36: {  	p1 =	seq.s32 s10, $0x1;
	s10 =	sld [smem:$0x3FBB];
	_ =	sdelay $0x3  }
0x37: {  	[smem:$0x3FBB] =	sst s10  }
0x38: {  	s10 =	sld [smem:$0x3FBC]  }
0x39: {  	_ = 	snop;
	(pc) =	sbr.ind lr, $3  }
0x3a: {  	_ = 	snop  }
0x3b: {  	_ = 	snop  }
0x3c: {  	p2 =	seq.s32 s10, $0x1;
	s10 =	sld [smem:$0x3FBB]  }
0x3d: {  	_ =	shalt  }
0x3e: {  	_ =	shalt  }
0x3f: {  	_ =	shalt  }
0x40: {  	_ =	shalt  }
0x41: {  	_ =	shalt  }
0x42: {  	_ =	shalt  }
0x43: {  	_ =	shalt  }
0x44: {  	_ =	shalt  }
0x45: {  	_ =	shalt  }
0x46: {  	_ =	shalt  }
0x47: {  	_ =	shalt  }
0x48: {  	_ =	shalt  }
0x49: {  	_ =	shalt  }
0x4a: {  	_ =	shalt  }
0x4b: {  	_ =	shalt  }
0x4c: {  	_ =	shalt  }
0x4d: {  	_ =	shalt  }
0x4e: {  	_ =	shalt  }
0x4f: {  	_ =	shalt  }
0x50: {  	_ =	shalt  }
0x51: {  	_ =	shalt  }
0x52: {  	_ =	shalt  }
0x53: {  	_ =	shalt  }
0x54: {  	_ =	shalt  }
0x55: {  	_ =	shalt  }
0x56: {  	_ =	shalt  }
0x57: {  	_ =	shalt  }
0x58: {  	_ =	shalt  }
0x59: {  	_ =	shalt  }
0x5a: {  	_ =	shalt  }
0x5b: {  	_ =	shalt  }
0x5c: {  	_ =	shalt  }
0x5d: {  	_ =	shalt  }
0x5e: {  	_ =	shalt  }
0x5f: {  	_ =	shalt  }
0x60: {  	_ =	shalt  }
0x61: {  	_ =	shalt  }
0x62: {  	_ =	shalt  }
0x63: {  	_ =	shalt  }
0x64: {  	_ =	shalt  }
0x65: {  	_ =	shalt  }
0x66: {  	_ =	shalt  }
0x67: {  	_ =	shalt  }
0x68: {  	_ =	shalt  }
0x69: {  	_ =	shalt  }
0x6a: {  	_ =	shalt  }
0x6b: {  	_ =	shalt  }
0x6c: {  	_ =	shalt  }
0x6d: {  	_ =	shalt  }
0x6e: {  	_ =	shalt  }
0x6f: {  	_ =	shalt  }
0x70: {  	_ =	shalt  }
0x71: {  	_ =	shalt  }
0x72: {  	_ =	shalt  }
0x73: {  	_ =	shalt  }
0x74: {  	_ =	shalt  }
0x75: {  	_ =	shalt  }
0x76: {  	_ =	shalt  }
0x77: {  	_ =	shalt  }
0x78: {  	_ =	shalt  }
0x79: {  	_ =	shalt  }
0x7a: {  	_ =	shalt  }
0x7b: {  	_ =	shalt  }
0x7c: {  	_ =	shalt  }
0x7d: {  	_ =	shalt  }
0x7e: {  	_ =	shalt  }
0x7f: {  	_ =	shalt  }
0x80: {  	_ =	shalt  }
0x81: {  	_ =	shalt  }
0x82: {  	_ =	shalt  }
0x83: {  	_ =	shalt  }
0x84: {  	_ =	shalt  }
0x85: {  	_ =	shalt  }
0x86: {  	_ =	shalt  }
0x87: {  	_ =	shalt  }
.Lfunc_end0:
.L_simem_size_0:
called_computation_lowered:
.L_overlay_start_0:
0x88: {  	s2 =	sld [smem:$0x3FD9]  }
0x89: {  	s3 =	sld [smem:$0x3FFE];
	_ =	sdelay $0x1  }
0x8a: {  	s1 =	srdreg.scid  }
0x8b: {  	s0 =	sand.u32 $0x1, s1  }
0x8c: {  	s17 =	sshll.u32 s0, $0xA;
	s2 =	sadd.s32 s3, s2  }
0x8d: {  	s2 =	sadd.s32 s2, s17  }
0x8e: {  	[smem:$0x3FC7] =	sst s2  }
0x8f: {  	_ = 	snop  }
0x90: {  	s2 =	sld [smem:$0x3FC9]  }
0x91: {  	s18 =	sld [smem:$0x3FD0];
	(tm) =	ssettm $0x1  }
0x92: {  	s4 =	sld [smem:$0x3FFB];
	_ =	sdelay $0x3  }
0x93: {  	_ =	strace s4  }
0x94: {  	s4 =	sld [smem:$0x3FFC];
	_ =	sdelay $0x3  }
0x95: {  	_ =	strace s4  }
0x96: {  	s4 =	sld [smem:$0x3FFD];
	_ =	sdelay $0x3  }
0x97: {  	_ =	strace s4  }
0x98: {  	_ =	strace $0x8FFFFFFF  }
0x99: {  	s19 =	sld [smem:$0x3FDB];
	_ =	sdelay $0x1  }
0x9a: {  	s5 =	simm.s32 $_scs_section_size  }
0x9b: {  	s6 =	simm.s32 $_size__tile_overlayer_lowered;
	s7 =	simm.s32 $_tile_overlayer_lowered  }
0x9c: {  	s22 =	simm.s32 $0x1BFF;
	s21 =	sshll.u32 s7, $0x1;
	s4 =	sadd.s32 s5, s19  }
0x9d: {  	s8 =	simm.s32 $0x0;
	s20 =	sshll.u32 s6, $0x1;
	s6 =	sadd.s32 s21, s4  }
0x9e: {  	[timem:s8], [sflag:s22] =	dma.local [hbm:s6], s20  }
0x9f: {  	_ =	swait.ge [sflag:s22], s20  }
0xa0: {  	s5 =	ssub.s32 $0x0, s20;
	[sflag:s22] =	ssyncset.done $0x0  }
0xa1: {  	[sflag:s22] =	ssyncadd.s32 s5;
	_ =	sdelay $0x1  }
0xa2: {  	s23 =	simm.s32 $0x1B8B  }
0xa3: {  	_ =	swait.ge [sflag:s23], $0x1  }
0xa4: {  	[sflag:s23] =	ssyncset.done $0x0  }
0xa5: {  	s25 =	simm.s32 $0x1B8E;
	s24 =	sld [smem:$0x3FFE];
	[sflag:s23] =	ssyncadd.s32 $0xFFFFFFFF  }
0xa6: {  	s26 =	simm.s32 $execute0_lowered;
	[smem:$0x3FD2] =	sst s25  }
0xa7: {  	s6 =	sshll.u32 s26, $0x1;
	_ =	strace $0x80000046;
	[dreg:$0x1] =	wrdreg $0xFFFFFFFF  }
0xa8: {  	s28 =	simm.s32 $_size_execute0_lowered;
	s4 =	sadd.s32 s4, s6;
	[dreg:$0x0] =	wrdreg $0x0  }
0xa9: {  	s6 =	sshll.u32 s28, $0x1;
	[dreg:$0x2] =	wrdreg s4  }
0xaa: {  	[dreg:$0x3] =	wrdreg s6  }
0xab: {  	[dreg:$0x4] =	wrdreg $0xC0  }
0xac: {  	_ =	task [dreg:s8], $0x5FFFF  }
0xad: {  	[dreg:$0x1] =	wrdreg $0xFFFFFFFF  }
0xae: {  	[dreg:$0x0] =	wrdreg $0x60  }
0xaf: {  	[dreg:$0x2] =	wrdreg s2  }
0xb0: {  	[dreg:$0x3] =	wrdreg s24  }
0xb1: {  	[dreg:$0x4] =	wrdreg s18  }
0xb2: {  	[dreg:$0x5] =	wrdreg $0x9  }
0xb3: {  	_ =	task.clear_ibuf [dreg:s8], $0x6FFFF;
	_ =	strace $0x90000046  }
0xb4: {  	s29 =	simm.s32 $0x9;
	_ =	strace $0x80000048  }
0xb5: {  	_ =	swait.ge [sflag:s29], $0x1  }
0xb6: {  	[sflag:s29] =	ssyncadd.s32 $0xFFFFFFFF  }
0xb7: {  	_ =	strace $0x90000048  }
0xb8: {  	_ =	sfence  }
0xb9: {  	s30 =	sld [smem:$0x0];
	_ =	sdelay $0x2  }
0xba: {  	s31 =	sshll.u32 s1, $0xD;
	s1 =	sshrl.u32 s1, $0x2  }
0xbb: {  	s3 =	sand.u32 $0x4000, s31;
	s1 =	sadd.s32 s1, s30  }
0xbc: {  	s0 =	sor.u32 s3, s0;
	s1 =	sshll.u32 s1, $0x11  }
0xbd: {  	s0 =	sor.u32 s1, s0  }
0xbe: {  	s0 =	sadd.s32 $0x8F2B, s0  }
0xbf: {  	[sflag:s0] =	ssyncadd.remote.s32 $0x1  }
0xc0: {  	_ =	sfence.sel $0xFFFF  }
0xc1: {  	[dreg:$0x0] =	wrdreg $0xFFFFFFFF;
	(pc) =	sbr.abs _section_cstart, $3  }
0xc2: {  	[dreg:$0x1] =	wrdreg $0xFFFFFFFF  }
0xc3: {  	_ =	task.clear_ibuf [dreg:s8], $0x2FFFF;
	_ =	strace $0x9FFFFFFF  }
0xc4: {  	(tm) =	ssettm $0x7FFFFFFF  }
0xc5: {  	_ =	shalt  }
tec
execute0_lowered:
.L_overlay_start_1:
0x0: {  	(tag) =	ssettag $0x1  }
0x1: {  	s1 =	rddreg [dreg:$0x0]  }
0x2: {  	s4 =	rddreg [dreg:$0x1];
	s2 =	srdreg.scid  }
0x3: {  	s0 =	stileid.u32;
	s8 =	rddreg [dreg:$0x2];
	s3 =	simm.s32 $0x0  }
0x4: {  	s12 =	simm.s32 $0x80;
	s13 =	simm.s32 $0x1;
	s14 =	simm.s32 $0x100  }
0x5: {  	s15 =	simm.s32 $0x900;
	s16 =	simm.s32 $0x1100;
	s17 =	simm.s32 $0x1900  }
0x6: {  	s18 =	simm.s32 $0x2;
	s19 =	simm.s32 $0x2100;
	s20 =	simm.s32 $0x2900  }
0x7: {  	s21 =	simm.s32 $0x3100;
	s22 =	simm.s32 $0x3900;
	s23 =	simm.s32 $0x3  }
0x8: {  	s24 =	simm.s32 $0x200;
	s25 =	simm.s32 $0x400;
	s26 =	simm.s32 $0x4  }
0x9: {  	s5 =	sand.u32 $0x1, s2;
	s6 =	sshll.u32 s0, $0x1;
	s2 =	rddreg [dreg:$0x3]  }
0xa: {  	[smem:$0x7FF] =	sst s3;
	s9 =	sshll.u32 s0, $0xC;
	s6 =	sor.u32 s5, s6  }
0xb: {  	_ =	strace $0x80000047;
	s31 =	ssub.s32 $0x2, s5;
	s9 =	sand.u32 $0xC000, s9  }
0xc: {  	s7 =	sshll.u32 s6, $0x5;
	s5 =	sshrl.u32 s31, $0x1;
	s6 =	sshll.u32 s6, $0xB  }
0xd: {  	s7 =	sadd.s32 s7, s4;
	s11 =	ssub.s32 s31, s5;
	s6 =	sand.u32 $0x3800, s6  }
0xe: {  	v0 =	vlaneseq.u32;
	s4 =	sadd.s32 $0x400, s7;
	s5 =	sadd.s32 $0x410, s7;
	s9 =	sor.u32 s9, s6  }
0xf: {  	v1 =	vshrl.u32 v0, $0x2;
	s6 =	sadd.s32 $0x200, s1;
	s7 =	sadd.s32 $0x400, s1;
	s8 =	sadd.s32 s8, s9  }
0x10: {  	vm0 =	vmmov $0xffff;
	v0 =	vand.u32 $0x3, v0;
	v1 =	vmul.u32 $0x8, v1;
	s11 =	smax.u32 s11, $0x1;
	s9 =	sadd.s32 $0x600, s1;
	s10 =	sadd.s32 $0x40, s8  }
.LBB2_1:
0x11: {  	[tilespmem:s3], [sflag:$0x1] =	stream.linear.gather [hbm4b:s4+s3], $0x80, $0x38;
	[tilespmem:$0x4100] =	vst v63  }
0x12: {  	_ = 	snop  }
0x13: {  	[tilespmem:s12], [sflag:$0x2] =	stream.linear.gather [hbm4b:s5+s3], $0x80, $0x38;
	[tilespmem:$0x4100] =	vst v63  }
0x14: {  	_ =	swait.ge [sflag:s13], $0x80  }
0x15: {  	[sflag:s13] =	ssyncset.done $0x0  }
0x16: {  	[sflag:s13] =	ssyncadd.s32 $0xFFFFFF80  }
0x17: {  	v2 =	vld.msk [tilespmem:$0x0], $0xf;
	_ =	sdelay $0x4  }
0x18: {  	v3 =	vshll.u32 v2, $0x4  }
0x19: {  	v2 =	vand.u32 $0x7, v2;
	v3 =	vand.u32 $0xFFFFFF80, v3  }
0x1a: {  	v2 =	vor.u32 v2, v3  }
0x1b: {  	v2 =	vperm.xlane v2, v0;
	_ =	sdelay $0x1  }
0x1c: {  	v2 =	vadd.s32 v1, v2;
	_ =	sdelay $0x4  }
0x1d: {  	[tilespmem:s14], [sflag:$0x3] =	stream.indirect_vreg.gather [hbm4b:s1+s3], $0x80, v2, vm0, $0xb8;
	[tilespmem:$0x4100] =	vst v63  }
0x1e: {  	_ = 	snop  }
0x1f: {  	[tilespmem:s15], [sflag:$0x3] =	stream.indirect_vreg.gather [hbm4b:s6+s3], $0x80, v2, vm0, $0xb8;
	[tilespmem:$0x4100] =	vst v63  }
0x20: {  	_ = 	snop  }
0x21: {  	[tilespmem:s16], [sflag:$0x3] =	stream.indirect_vreg.gather [hbm4b:s7+s3], $0x80, v2, vm0, $0xb8;
	[tilespmem:$0x4100] =	vst v63  }
0x22: {  	_ = 	snop  }
0x23: {  	[tilespmem:s17], [sflag:$0x3] =	stream.indirect_vreg.gather [hbm4b:s9+s3], $0x80, v2, vm0, $0xb8;
	[tilespmem:$0x4100] =	vst v63  }
0x24: {  	_ =	swait.ge [sflag:s18], $0x80  }
0x25: {  	[sflag:s18] =	ssyncset.done $0x0  }
0x26: {  	[sflag:s18] =	ssyncadd.s32 $0xFFFFFF80  }
0x27: {  	v2 =	vld.msk [tilespmem:$0x80], $0xf;
	_ =	sdelay $0x4  }
0x28: {  	v3 =	vshll.u32 v2, $0x4  }
0x29: {  	v2 =	vand.u32 $0x7, v2;
	v3 =	vand.u32 $0xFFFFFF80, v3  }
0x2a: {  	v2 =	vor.u32 v2, v3  }
0x2b: {  	v2 =	vperm.xlane v2, v0;
	_ =	sdelay $0x1  }
0x2c: {  	v2 =	vadd.s32 v1, v2;
	_ =	sdelay $0x4  }
0x2d: {  	[tilespmem:s19], [sflag:$0x4] =	stream.indirect_vreg.gather [hbm4b:s1+s3], $0x80, v2, vm0, $0xb8;
	[tilespmem:$0x4100] =	vst v63  }
0x2e: {  	_ = 	snop  }
0x2f: {  	[tilespmem:s20], [sflag:$0x4] =	stream.indirect_vreg.gather [hbm4b:s6+s3], $0x80, v2, vm0, $0xb8;
	[tilespmem:$0x4100] =	vst v63  }
0x30: {  	_ = 	snop  }
0x31: {  	[tilespmem:s21], [sflag:$0x4] =	stream.indirect_vreg.gather [hbm4b:s7+s3], $0x80, v2, vm0, $0xb8;
	[tilespmem:$0x4100] =	vst v63  }
0x32: {  	_ = 	snop  }
0x33: {  	[tilespmem:s22], [sflag:$0x4] =	stream.indirect_vreg.gather [hbm4b:s9+s3], $0x80, v2, vm0, $0xb8;
	[tilespmem:$0x4100] =	vst v63  }
0x34: {  	_ =	swait.ge [sflag:s23], $0x2000  }
0x35: {  	[sflag:s23] =	ssyncset.done $0x0  }
0x36: {  	[sflag:s23] =	ssyncadd.s32 $0xFFFFE000  }
0x37: {  	[hbm4b:s8+s24] =	stream.strided.scatter [tilespmem:s14], [sflag:$0x1], $0x2000, s25, s24, $0x38;
	[tilespmem:$0x4100] =	vst v63  }
0x38: {  	_ =	swait.ge [sflag:s26], $0x2000  }
0x39: {  	[sflag:s26] =	ssyncset.done $0x0  }
0x3a: {  	[sflag:s26] =	ssyncadd.s32 $0xFFFFE000  }
0x3b: {  	[hbm4b:s10+s24] =	stream.strided.scatter [tilespmem:s19], [sflag:$0x2], $0x2000, s25, s24, $0x38;
	[tilespmem:$0x4100] =	vst v63  }
0x3c: {  	p0 =	sne.s32 s11, $0x1;
	_ =	swait.ge [sflag:s13], $0x2000  }
.Ltmp0:
0x3d: {  	[sflag:s13] =	ssyncset.done $0x0;
	(pc) =	sbr.rel @p0 .LBB2_1-.Ltmp0, $4  }
0x3e: {  	[sflag:s13] =	ssyncadd.s32 $0xFFFFE000  }
0x3f: {  	_ =	swait.ge [sflag:s18], $0x2000  }
0x40: {  	[sflag:s18] =	ssyncset.done $0x0  }
0x41: {  	s11 =	sadd.s32 $0xFFFFFFFF, s11;
	[sflag:s18] =	ssyncadd.s32 $0xFFFFE000  }
0x42: {  	_ =	sfence.sel $0x180000  }
0x43: {  	[bflag:$0x0] =	sbarrier.arrive $0xFFFF  }
0x44: {  	p0 =	sne.s32 s0, $0x0;
	_ =	strace $0x90000047  }
0x45: {  	s0 =	sadd.s32 @!p0 $0x100000, s2;
	[bflag:$0x2] =	sbarrier.arrive $0xFFFF  }
0x46: {  	[sflag:s0] =	ssyncadd.tile.s32 @!p0 $0x1;
	_ =	shalt  }
.Lfunc_end2:
_tile_overlayer_lowered:
.L_overlay_start_2:
0x47: {  	(tag) =	ssettag $0x2  }
0x48: {  	s0 =	rddreg [dreg:$0x0];
	s2 =	stileid.u32  }
0x49: {  	s1 =	rddreg [dreg:$0x1];
	p0 =	sne.s32 s2, $0x0  }
0x4a: {  	s3 =	rddreg [dreg:$0x2];
	[bflag:$0x3] =	sbarrier.arrive $0xFFFF;
	s2 =	simm.s32 @!p0 $0x1C05  }
0x4b: {  	[timem:s3], [sflag:s2] =	dma.local @!p0 [hbm:s0], s1  }
0x4c: {  	s0 =	simm.s32 @!p0 $0x5  }
0x4d: {  	_ =	swait.ge @!p0 [sflag:s0], s1  }
0x4e: {  	s1 =	ssub.s32 @!p0 $0x0, s1;
	[sflag:s0] =	ssyncset.done @!p0 $0x0  }
0x4f: {  	[sflag:s0] =	ssyncadd.s32 @!p0 s1  }
0x50: {  	[bflag:$0x3] =	sbarrier.arrive $0xFFFF  }
0x51: {  	_ =	shalt  }

</sc_bundles>
